<compile_context>
chip_gen: v7x
topology: tpu7x:2x2x1
jax: 0.10.2.dev20260603
libtpu: 0.0.44.dev20260713+nightly
codegen_flags: <defaults>
</compile_context>

<pallas_src>
import functools

import jax
import jax.numpy as jnp
from jax import lax
from jax.experimental import pallas as pl
from jax.experimental.pallas import tpu as pltpu
from jax.experimental.pallas import tpu_sc as plsc

_NEG_BIG = -3.38953138925153547590470800371487866880e+38
_BLK = 10000


def _tc_body(nodes_ref, ids_ref, state_ref, wa_ref, w1_ref, w2_ref, ba_ref,
             bal_ref, z_ref, mm_ref, splus_ref, m_scr, s_scr):
    i = pl.program_id(0)
    nb = pl.num_programs(0)
    bsz = m_scr.shape[0]
    blk = nodes_ref.shape[0]

    @pl.when(i == 0)
    def _init():
        m_scr[...] = jnp.full(m_scr.shape, _NEG_BIG, jnp.float32)
        s_scr[...] = jnp.zeros(s_scr.shape, jnp.float32)
        mm_ref[...] = jnp.zeros(mm_ref.shape, jnp.float32)
        splus_ref[...] = lax.dot_general(
            state_ref[...], w1_ref[...], (((1,), (0,)), ((), ())),
            preferred_element_type=jnp.float32,
            precision=lax.Precision.HIGHEST) + bal_ref[0, 0]

    ids = ids_ref[0]
    nodes_bf = nodes_ref[...].astype(jnp.bfloat16)

    z = lax.dot_general(w2_ref[...], nodes_bf, (((0,), (1,)), ((), ())),
                        preferred_element_type=jnp.float32)
    z_ref[0] = z

    onehot_t = (jnp.broadcast_to(ids.astype(jnp.int16), (bsz, blk)) ==
                lax.broadcasted_iota(jnp.int16, (bsz, blk), 0))

    m_blk = jnp.max(z, axis=1, keepdims=True)
    m_old = m_scr[...]
    m_new = jnp.maximum(m_old, m_blk)
    factor = jnp.exp(m_old - m_new)
    scale_b = jnp.exp(m_blk - m_new)
    m_scr[...] = m_new

    p_bf = jnp.exp(z - m_blk).astype(jnp.bfloat16)
    w_oh = jnp.where(onehot_t, p_bf, jnp.bfloat16(0))

    s_scr[...] = s_scr[...] * factor + scale_b * lax.dot_general(
        w_oh, jnp.ones((blk, 1), jnp.bfloat16), (((1,), (0,)), ((), ())),
        preferred_element_type=jnp.float32)

    attend = lax.dot_general(nodes_bf, wa_ref[...],
                             (((1,), (0,)), ((), ())),
                             preferred_element_type=jnp.float32
                             ).astype(jnp.bfloat16) + ba_ref[...]
    attend = jnp.where(attend > 0, attend, jnp.bfloat16(0.2) * attend)
    mm_ref[...] = mm_ref[...] * factor + scale_b * lax.dot_general(
        w_oh, attend, (((1,), (0,)), ((), ())),
        preferred_element_type=jnp.float32)

    @pl.when(i == nb - 1)
    def _fin():
        mm = mm_ref[...] / jnp.maximum(s_scr[...], 1e-12)
        mm_ref[...] = jnp.where(mm > 0, mm, jnp.exp(mm) - 1.0)


def _sc_body(chunk, tail, z_hbm, ids_hbm, splus_hbm, out_hbm,
             z_v, ids_v, sp_v, out_v):
    c = lax.axis_index("c")
    s = lax.axis_index("s")
    wid = s * 2 + c
    base = wid * chunk
    last = ids_hbm.shape[0] // chunk

    pltpu.sync_copy(splus_hbm, sp_v)

    @pl.when(wid < last)
    def _full_in():
        pltpu.sync_copy(z_hbm.at[pl.ds(base, chunk)], z_v)
        pltpu.sync_copy(ids_hbm.at[pl.ds(base, chunk)], ids_v)

    if tail:
        @pl.when(wid == last)
        def _tail_in():
            pltpu.sync_copy(z_hbm.at[pl.ds(base, tail)],
                            z_v.at[pl.ds(0, tail)])
            pltpu.sync_copy(ids_hbm.at[pl.ds(base, tail)],
                            ids_v.at[pl.ds(0, tail)])

    nv = jnp.where(wid == last, tail // 16, chunk // 16)

    def body(i, carry):
        off = i * 16
        idx = ids_v[pl.ds(off, 16)]
        g = plsc.load_gather(sp_v, [idx])
        out_v[pl.ds(off, 16)] = z_v[pl.ds(off, 16)] + g
        return carry

    lax.fori_loop(0, nv, body, 0)

    @pl.when(wid < last)
    def _full_out():
        pltpu.sync_copy(out_v, out_hbm.at[pl.ds(base, chunk)])

    if tail:
        @pl.when(wid == last)
        def _tail_out():
            pltpu.sync_copy(out_v.at[pl.ds(0, tail)],
                            out_hbm.at[pl.ds(base, tail)])


def _tc_stage(state, nodes, ids3, W_attend, w1, w2, ba2, bal2):
    n, f = nodes.shape
    bsz = state.shape[0]
    u = W_attend.shape[1]
    blk = _BLK
    nb = n // blk
    return pl.pallas_call(
        _tc_body,
        grid=(nb,),
        in_specs=[
            pl.BlockSpec((blk, f), lambda i: (i, 0)),
            pl.BlockSpec((1, 1, blk), lambda i: (i, 0, 0)),
            pl.BlockSpec((bsz, f), lambda i: (0, 0)),
            pl.BlockSpec((f, u), lambda i: (0, 0)),
            pl.BlockSpec((f, 1), lambda i: (0, 0)),
            pl.BlockSpec((f, 1), lambda i: (0, 0)),
            pl.BlockSpec((1, u), lambda i: (0, 0)),
            pl.BlockSpec((1, 1), lambda i: (0, 0)),
        ],
        out_specs=[
            pl.BlockSpec((1, 1, blk), lambda i: (i, 0, 0)),
            pl.BlockSpec((bsz, u), lambda i: (0, 0)),
            pl.BlockSpec((bsz, 1), lambda i: (0, 0)),
        ],
        out_shape=[
            jax.ShapeDtypeStruct((nb, 1, blk), jnp.float32),
            jax.ShapeDtypeStruct((bsz, u), jnp.float32),
            jax.ShapeDtypeStruct((bsz, 1), jnp.float32),
        ],
        scratch_shapes=[
            pltpu.VMEM((bsz, 1), jnp.float32),
            pltpu.VMEM((bsz, 1), jnp.float32),
        ],
    )(nodes, ids3, state, W_attend.astype(jnp.bfloat16), w1, w2, ba2, bal2)


def _sc_stage(z_flat, ids_flat, splus_v, chunk, tail):
    bsz = splus_v.shape[0]
    n = z_flat.shape[0]
    sc_fn = pl.kernel(
        functools.partial(_sc_body, chunk, tail),
        out_type=jax.ShapeDtypeStruct((n,), jnp.float32),
        mesh=plsc.VectorSubcoreMesh(core_axis_name="c", subcore_axis_name="s",
                                    num_cores=2, num_subcores=16),
        compiler_params=pltpu.CompilerParams(needs_layout_passes=False),
        scratch_types=[
            pltpu.VMEM((chunk,), jnp.float32),
            pltpu.VMEM((chunk,), jnp.int32),
            pltpu.VMEM((bsz,), jnp.float32),
            pltpu.VMEM((chunk,), jnp.float32),
        ],
    )
    return sc_fn(z_flat, ids_flat, splus_v)


def kernel(state, nodes, batch_id_nodes, W_attend, b_attend, W_align, b_align):
    n, f = nodes.shape
    bsz = state.shape[0]
    u = W_attend.shape[1]
    blk = _BLK
    nb = n // blk

    ids32 = batch_id_nodes.astype(jnp.int32)
    ids3 = ids32.reshape(nb, 1, blk)
    w1 = W_align[:f]
    w2 = W_align[f:].astype(jnp.bfloat16)
    ba2 = b_attend.reshape(1, u).astype(jnp.bfloat16)
    bal2 = b_align.reshape(1, 1)

    z3, mm, splus = _tc_stage(state, nodes, ids3, W_attend, w1, w2, ba2, bal2)

    n_workers = 32
    chunk = -(-n // (n_workers * 16)) * 16
    tail = n - (n // chunk) * chunk

    align_flat = _sc_stage(z3.reshape(n), ids32, splus.reshape(bsz),
                           chunk, tail)
    return (mm, align_flat.reshape(n, 1))

# --- scband reference (transcript-rebuilt; emitter-appended) ---
"""Pipeline reference for scband-ham-net-global-readout-attend-24953759989869 (READ-ONLY COPY).

The authoritative reference and input builder live on the scoring server;
editing this copy changes nothing except your own understanding.
"""

import jax, jax.numpy as jnp
import numpy as np

B, N, F, U = 256, 100000, 128, 128

def _glorot(key, shape):
    fan_in, fan_out = shape[0], shape[1]
    limit = np.sqrt(6.0 / (fan_in + fan_out))
    return jax.random.uniform(key, shape, jnp.float32, -limit, limit)

def leaky_relu2(x):
    # kgcnn>leaky_relu2: leaky relu with alpha=0.2
    return jnp.where(x > 0, x, 0.2 * x)

def setup_inputs(seed: int = 0) -> dict:
    key = jax.random.key(seed)
    ks = jax.random.split(key, 8)
    state = jax.random.normal(ks[0], (B, F), jnp.float32)
    nodes = jax.random.normal(ks[1], (N, F), jnp.float32)
    batch_id_nodes = jnp.sort(jax.random.randint(ks[2], (N,), 0, B, dtype=jnp.int64))
    W_attend = _glorot(ks[3], (F, U))
    b_attend = jnp.zeros((U,), jnp.float32)
    W_align = _glorot(ks[4], (2 * F, 1))
    b_align = jnp.zeros((1,), jnp.float32)
    return {"state": state, "nodes": nodes, "batch_id_nodes": batch_id_nodes,
            "W_attend": W_attend, "b_attend": b_attend,
            "W_align": W_align, "b_align": b_align}

def reference(state, nodes, batch_id_nodes, W_attend, b_attend, W_align, b_align):
    num_segments = state.shape[0]
    # GatherState: broadcast molecular state to each node
    hm_v_ftr = jnp.take(state, batch_id_nodes, axis=0)                      # [N, F]
    # dense_attend with kgcnn>leaky_relu2 activation
    attend_ftr = leaky_relu2(nodes @ W_attend + b_attend)                   # [N, U]
    # concat + dense_align (linear) -> attention logits
    align_in = jnp.concatenate([hm_v_ftr, nodes], axis=-1)                  # [N, 2F]
    align_ftr = align_in @ W_align + b_align                                # [N, 1]
    # PoolingNodesAttention: segment softmax over nodes per graph, weighted sum
    seg_max = jax.ops.segment_max(align_ftr, batch_id_nodes, num_segments=num_segments)
    seg_max = jnp.where(jnp.isfinite(seg_max), seg_max, 0.0)
    a = jnp.exp(align_ftr - jnp.take(seg_max, batch_id_nodes, axis=0))      # [N, 1]
    seg_sum = jax.ops.segment_sum(a, batch_id_nodes, num_segments=num_segments)  # [B, 1]
    alpha = a / jnp.take(jnp.maximum(seg_sum, 1e-12), batch_id_nodes, axis=0)
    mm_ftr = jax.ops.segment_sum(alpha * attend_ftr, batch_id_nodes, num_segments=num_segments)  # [B, U]
    # final activation: elu
    mm_ftr = jax.nn.elu(mm_ftr)
    return (mm_ftr, align_ftr)

if __name__ == "__main__":
    import jax
    _d = setup_inputs()
    print(jax.jit(kernel)(*tuple(_d.values())))

</pallas_src>

<mosaic_0001>
#map = affine_map<(d0, d1) -> (0)>
module attributes {stable_mosaic.version = 14 : i64} {
  func.func @_sc_body(%arg0: i32, %arg1: i32, %arg2: memref<100000xf32, #tpu.memory_space<hbm>>, %arg3: memref<100000xi32, #tpu.memory_space<hbm>>, %arg4: memref<256xf32, #tpu.memory_space<hbm>>, %arg5: memref<100000xf32, #tpu.memory_space<hbm>>, %arg6: memref<3136xf32, #tpu.memory_space<vmem>>, %arg7: memref<3136xi32, #tpu.memory_space<vmem>>, %arg8: memref<256xf32, #tpu.memory_space<vmem>>, %arg9: memref<3136xf32, #tpu.memory_space<vmem>>) attributes {dimension_semantics = [#tpu.dimension_semantics<core_parallel>, #tpu.dimension_semantics<subcore_parallel>], iteration_bounds = array<i64: 2, 16>, scalar_prefetch = 0 : i64, scratch_operands = 4 : i64, tpu.core_type = #tpu.core_type<sc_vector_subcore>, window_params = [{transform_indices = #map}, {transform_indices = #map}, {transform_indices = #map}, {transform_indices = #map}]} {
    %mul3A = arith.constant 2 : i32
    %mul3A_0 = arith.muli %arg1, %mul3A : i32
    %add3A = arith.addi %mul3A_0, %arg0 : i32
    %mul3A_1 = arith.constant 3136 : i32
    %mul3A_2 = arith.muli %add3A, %mul3A_1 : i32
    "tpu.region"() ({
      %run_scoped3A = tpu.sem_alloc : memref<!tpu.dma_semaphore, #tpu.memory_space<semaphore_mem>>
      tpu.enqueue_dma source(%arg4 : memref<256xf32, #tpu.memory_space<hbm>>) target(%arg8 : memref<256xf32, #tpu.memory_space<vmem>>) target_semaphore(%run_scoped3A : memref<!tpu.dma_semaphore, #tpu.memory_space<semaphore_mem>>)
      tpu.wait_dma2 semaphore(%run_scoped3A : memref<!tpu.dma_semaphore, #tpu.memory_space<semaphore_mem>>) src(%arg4 : memref<256xf32, #tpu.memory_space<hbm>>) dst(%arg8 : memref<256xf32, #tpu.memory_space<vmem>>)
      tpu.yield
    }) : () -> ()
    %lt3A = arith.constant 31 : i32
    %lt3A_3 = arith.cmpi slt, %add3A, %lt3A : i32
    %convert_element_type3A = arith.extui %lt3A_3 : i1 to i32
    %cond3A = arith.constant 0 : i32
    %cond3A_4 = arith.cmpi ne, %convert_element_type3A, %cond3A : i32
    scf.if %cond3A_4 {
      "tpu.region"() ({
        %run_scoped3A = tpu.sem_alloc : memref<!tpu.dma_semaphore, #tpu.memory_space<semaphore_mem>>
        %dma_start3A = tpu.memref_slice %arg2[%mul3A_2] : memref<100000xf32, #tpu.memory_space<hbm>> -> memref<3136xf32, #tpu.memory_space<hbm>>
        %dma_start3A_31 = tpu.memref_slice %arg2[%mul3A_2] : memref<100000xf32, #tpu.memory_space<hbm>> -> memref<3136xf32, #tpu.memory_space<hbm>>
        tpu.enqueue_dma source(%dma_start3A_31 : memref<3136xf32, #tpu.memory_space<hbm>>) target(%arg6 : memref<3136xf32, #tpu.memory_space<vmem>>) target_semaphore(%run_scoped3A : memref<!tpu.dma_semaphore, #tpu.memory_space<semaphore_mem>>)
        %dma_wait3A = tpu.memref_slice %arg2[%mul3A_2] : memref<100000xf32, #tpu.memory_space<hbm>> -> memref<3136xf32, #tpu.memory_space<hbm>>
        %dma_wait3A_32 = tpu.memref_slice %arg2[%mul3A_2] : memref<100000xf32, #tpu.memory_space<hbm>> -> memref<3136xf32, #tpu.memory_space<hbm>>
        tpu.wait_dma2 semaphore(%run_scoped3A : memref<!tpu.dma_semaphore, #tpu.memory_space<semaphore_mem>>) src(%dma_wait3A_32 : memref<3136xf32, #tpu.memory_space<hbm>>) dst(%arg6 : memref<3136xf32, #tpu.memory_space<vmem>>)
        tpu.yield
      }) : () -> ()
      "tpu.region"() ({
        %run_scoped3A = tpu.sem_alloc : memref<!tpu.dma_semaphore, #tpu.memory_space<semaphore_mem>>
        %dma_start3A = tpu.memref_slice %arg3[%mul3A_2] : memref<100000xi32, #tpu.memory_space<hbm>> -> memref<3136xi32, #tpu.memory_space<hbm>>
        %dma_start3A_31 = tpu.memref_slice %arg3[%mul3A_2] : memref<100000xi32, #tpu.memory_space<hbm>> -> memref<3136xi32, #tpu.memory_space<hbm>>
        tpu.enqueue_dma source(%dma_start3A_31 : memref<3136xi32, #tpu.memory_space<hbm>>) target(%arg7 : memref<3136xi32, #tpu.memory_space<vmem>>) target_semaphore(%run_scoped3A : memref<!tpu.dma_semaphore, #tpu.memory_space<semaphore_mem>>)
        %dma_wait3A = tpu.memref_slice %arg3[%mul3A_2] : memref<100000xi32, #tpu.memory_space<hbm>> -> memref<3136xi32, #tpu.memory_space<hbm>>
        %dma_wait3A_32 = tpu.memref_slice %arg3[%mul3A_2] : memref<100000xi32, #tpu.memory_space<hbm>> -> memref<3136xi32, #tpu.memory_space<hbm>>
        tpu.wait_dma2 semaphore(%run_scoped3A : memref<!tpu.dma_semaphore, #tpu.memory_space<semaphore_mem>>) src(%dma_wait3A_32 : memref<3136xi32, #tpu.memory_space<hbm>>) dst(%arg7 : memref<3136xi32, #tpu.memory_space<vmem>>)
        tpu.yield
      }) : () -> ()
    } else {
    }
    %eq3A = arith.constant 31 : i32
    %eq3A_5 = arith.cmpi eq, %add3A, %eq3A : i32
    %convert_element_type3A_6 = arith.extui %eq3A_5 : i1 to i32
    %cond3A_7 = arith.constant 0 : i32
    %cond3A_8 = arith.cmpi ne, %convert_element_type3A_6, %cond3A_7 : i32
    scf.if %cond3A_8 {
      "tpu.region"() ({
        %run_scoped3A = tpu.sem_alloc : memref<!tpu.dma_semaphore, #tpu.memory_space<semaphore_mem>>
        %dma_start3A = arith.constant 0 : i32
        %dma_start3A_31 = tpu.memref_slice %arg6[%dma_start3A] : memref<3136xf32, #tpu.memory_space<vmem>> -> memref<2784xf32, #tpu.memory_space<vmem>>
        %dma_start3A_32 = tpu.memref_slice %arg2[%mul3A_2] : memref<100000xf32, #tpu.memory_space<hbm>> -> memref<2784xf32, #tpu.memory_space<hbm>>
        %dma_start3A_33 = arith.constant 0 : i32
        %dma_start3A_34 = tpu.memref_slice %arg6[%dma_start3A_33] : memref<3136xf32, #tpu.memory_space<vmem>> -> memref<2784xf32, #tpu.memory_space<vmem>>
        %dma_start3A_35 = tpu.memref_slice %arg2[%mul3A_2] : memref<100000xf32, #tpu.memory_space<hbm>> -> memref<2784xf32, #tpu.memory_space<hbm>>
        tpu.enqueue_dma source(%dma_start3A_35 : memref<2784xf32, #tpu.memory_space<hbm>>) target(%dma_start3A_34 : memref<2784xf32, #tpu.memory_space<vmem>>) target_semaphore(%run_scoped3A : memref<!tpu.dma_semaphore, #tpu.memory_space<semaphore_mem>>)
        %dma_wait3A = arith.constant 0 : i32
        %dma_wait3A_36 = tpu.memref_slice %arg6[%dma_wait3A] : memref<3136xf32, #tpu.memory_space<vmem>> -> memref<2784xf32, #tpu.memory_space<vmem>>
        %dma_wait3A_37 = tpu.memref_slice %arg2[%mul3A_2] : memref<100000xf32, #tpu.memory_space<hbm>> -> memref<2784xf32, #tpu.memory_space<hbm>>
        %dma_wait3A_38 = arith.constant 0 : i32
        %dma_wait3A_39 = tpu.memref_slice %arg6[%dma_wait3A_38] : memref<3136xf32, #tpu.memory_space<vmem>> -> memref<2784xf32, #tpu.memory_space<vmem>>
        %dma_wait3A_40 = tpu.memref_slice %arg2[%mul3A_2] : memref<100000xf32, #tpu.memory_space<hbm>> -> memref<2784xf32, #tpu.memory_space<hbm>>
        tpu.wait_dma2 semaphore(%run_scoped3A : memref<!tpu.dma_semaphore, #tpu.memory_space<semaphore_mem>>) src(%dma_wait3A_40 : memref<2784xf32, #tpu.memory_space<hbm>>) dst(%dma_wait3A_39 : memref<2784xf32, #tpu.memory_space<vmem>>)
        tpu.yield
      }) : () -> ()
      "tpu.region"() ({
        %run_scoped3A = tpu.sem_alloc : memref<!tpu.dma_semaphore, #tpu.memory_space<semaphore_mem>>
        %dma_start3A = arith.constant 0 : i32
        %dma_start3A_31 = tpu.memref_slice %arg7[%dma_start3A] : memref<3136xi32, #tpu.memory_space<vmem>> -> memref<2784xi32, #tpu.memory_space<vmem>>
        %dma_start3A_32 = tpu.memref_slice %arg3[%mul3A_2] : memref<100000xi32, #tpu.memory_space<hbm>> -> memref<2784xi32, #tpu.memory_space<hbm>>
        %dma_start3A_33 = arith.constant 0 : i32
        %dma_start3A_34 = tpu.memref_slice %arg7[%dma_start3A_33] : memref<3136xi32, #tpu.memory_space<vmem>> -> memref<2784xi32, #tpu.memory_space<vmem>>
        %dma_start3A_35 = tpu.memref_slice %arg3[%mul3A_2] : memref<100000xi32, #tpu.memory_space<hbm>> -> memref<2784xi32, #tpu.memory_space<hbm>>
        tpu.enqueue_dma source(%dma_start3A_35 : memref<2784xi32, #tpu.memory_space<hbm>>) target(%dma_start3A_34 : memref<2784xi32, #tpu.memory_space<vmem>>) target_semaphore(%run_scoped3A : memref<!tpu.dma_semaphore, #tpu.memory_space<semaphore_mem>>)
        %dma_wait3A = arith.constant 0 : i32
        %dma_wait3A_36 = tpu.memref_slice %arg7[%dma_wait3A] : memref<3136xi32, #tpu.memory_space<vmem>> -> memref<2784xi32, #tpu.memory_space<vmem>>
        %dma_wait3A_37 = tpu.memref_slice %arg3[%mul3A_2] : memref<100000xi32, #tpu.memory_space<hbm>> -> memref<2784xi32, #tpu.memory_space<hbm>>
        %dma_wait3A_38 = arith.constant 0 : i32
        %dma_wait3A_39 = tpu.memref_slice %arg7[%dma_wait3A_38] : memref<3136xi32, #tpu.memory_space<vmem>> -> memref<2784xi32, #tpu.memory_space<vmem>>
        %dma_wait3A_40 = tpu.memref_slice %arg3[%mul3A_2] : memref<100000xi32, #tpu.memory_space<hbm>> -> memref<2784xi32, #tpu.memory_space<hbm>>
        tpu.wait_dma2 semaphore(%run_scoped3A : memref<!tpu.dma_semaphore, #tpu.memory_space<semaphore_mem>>) src(%dma_wait3A_40 : memref<2784xi32, #tpu.memory_space<hbm>>) dst(%dma_wait3A_39 : memref<2784xi32, #tpu.memory_space<vmem>>)
        tpu.yield
      }) : () -> ()
    } else {
    }
    %eq3A_9 = arith.constant 31 : i32
    %eq3A_10 = arith.cmpi eq, %add3A, %eq3A_9 : i32
    %jit3A = arith.constant 174 : i32
    %jit3A_11 = arith.constant 196 : i32
    %select_n3A = arith.select %eq3A_10, %jit3A, %jit3A_11 : i32
    %while3A = arith.constant 0 : i32
    %while3A_12 = arith.constant 0 : i32
    %while3A_13 = arith.subi %select_n3A, %while3A_12 : i32
    %while3A_14 = arith.addi %while3A_12, %while3A_13 : i32
    %while3A_15 = arith.constant 1 : i32
    %while3A_16 = arith.divsi %while3A_13, %while3A_15 : i32
    %while3A_17 = arith.muli %while3A_16, %while3A_15 : i32
    %while3A_18 = arith.addi %while3A_12, %while3A_17 : i32
    %while3A_19 = arith.constant 1 : i32
    scf.for %while3A_31 = %while3A_12 to %while3A_18 step %while3A_19  : i32 {
      %mul3A_32 = arith.constant 16 : i32
      %mul3A_33 = arith.muli %while3A_31, %mul3A_32 : i32
      %get3A = arith.index_cast %mul3A_33 : i32 to index
      %get3A_34 = tpu.vector_load %arg7[%get3A] {strides = array<i32>} : memref<3136xi32, #tpu.memory_space<vmem>>, vector<16xi32>,
      %gather3A = tpu.vector_load_idx %arg8[%get3A_34] : memref<256xf32, #tpu.memory_space<vmem>>[vector<16xi32>], vector<16xf32>,
      %get3A_35 = arith.index_cast %mul3A_33 : i32 to index
      %get3A_36 = tpu.vector_load %arg6[%get3A_35] {strides = array<i32>} : memref<3136xf32, #tpu.memory_space<vmem>>, vector<16xf32>,
      %add3A_37 = arith.addf %get3A_36, %gather3A : vector<16xf32>
      %swap3A = arith.index_cast %mul3A_33 : i32 to index
      %swap3A_38 = tpu.vector_load %arg9[%swap3A] {strides = array<i32>} : memref<3136xf32, #tpu.memory_space<vmem>>, vector<16xf32>,
      tpu.vector_store %arg9[%swap3A], %add3A_37 {strides = array<i32>} : memref<3136xf32, #tpu.memory_space<vmem>>, vector<16xf32>,
    }
    %while3A_20 = arith.constant 1 : i32
    scf.for %while3A_31 = %while3A_18 to %while3A_14 step %while3A_20  : i32 {
      %mul3A_32 = arith.constant 16 : i32
      %mul3A_33 = arith.muli %while3A_31, %mul3A_32 : i32
      %get3A = arith.index_cast %mul3A_33 : i32 to index
      %get3A_34 = tpu.vector_load %arg7[%get3A] {strides = array<i32>} : memref<3136xi32, #tpu.memory_space<vmem>>, vector<16xi32>,
      %gather3A = tpu.vector_load_idx %arg8[%get3A_34] : memref<256xf32, #tpu.memory_space<vmem>>[vector<16xi32>], vector<16xf32>,
      %get3A_35 = arith.index_cast %mul3A_33 : i32 to index
      %get3A_36 = tpu.vector_load %arg6[%get3A_35] {strides = array<i32>} : memref<3136xf32, #tpu.memory_space<vmem>>, vector<16xf32>,
      %add3A_37 = arith.addf %get3A_36, %gather3A : vector<16xf32>
      %swap3A = arith.index_cast %mul3A_33 : i32 to index
      %swap3A_38 = tpu.vector_load %arg9[%swap3A] {strides = array<i32>} : memref<3136xf32, #tpu.memory_space<vmem>>, vector<16xf32>,
      tpu.vector_store %arg9[%swap3A], %add3A_37 {strides = array<i32>} : memref<3136xf32, #tpu.memory_space<vmem>>, vector<16xf32>,
    }
    %lt3A_21 = arith.constant 31 : i32
    %lt3A_22 = arith.cmpi slt, %add3A, %lt3A_21 : i32
    %convert_element_type3A_23 = arith.extui %lt3A_22 : i1 to i32
    %cond3A_24 = arith.constant 0 : i32
    %cond3A_25 = arith.cmpi ne, %convert_element_type3A_23, %cond3A_24 : i32
    scf.if %cond3A_25 {
      "tpu.region"() ({
        %run_scoped3A = tpu.sem_alloc : memref<!tpu.dma_semaphore, #tpu.memory_space<semaphore_mem>>
        %dma_start3A = tpu.memref_slice %arg5[%mul3A_2] : memref<100000xf32, #tpu.memory_space<hbm>> -> memref<3136xf32, #tpu.memory_space<hbm>>
        %dma_start3A_31 = tpu.memref_slice %arg5[%mul3A_2] : memref<100000xf32, #tpu.memory_space<hbm>> -> memref<3136xf32, #tpu.memory_space<hbm>>
        tpu.enqueue_dma source(%arg9 : memref<3136xf32, #tpu.memory_space<vmem>>) target(%dma_start3A_31 : memref<3136xf32, #tpu.memory_space<hbm>>) target_semaphore(%run_scoped3A : memref<!tpu.dma_semaphore, #tpu.memory_space<semaphore_mem>>)
        %dma_wait3A = tpu.memref_slice %arg5[%mul3A_2] : memref<100000xf32, #tpu.memory_space<hbm>> -> memref<3136xf32, #tpu.memory_space<hbm>>
        %dma_wait3A_32 = tpu.memref_slice %arg5[%mul3A_2] : memref<100000xf32, #tpu.memory_space<hbm>> -> memref<3136xf32, #tpu.memory_space<hbm>>
        tpu.wait_dma2 semaphore(%run_scoped3A : memref<!tpu.dma_semaphore, #tpu.memory_space<semaphore_mem>>) src(%arg9 : memref<3136xf32, #tpu.memory_space<vmem>>) dst(%dma_wait3A_32 : memref<3136xf32, #tpu.memory_space<hbm>>)
        tpu.yield
      }) : () -> ()
    } else {
    }
    %eq3A_26 = arith.constant 31 : i32
    %eq3A_27 = arith.cmpi eq, %add3A, %eq3A_26 : i32
    %convert_element_type3A_28 = arith.extui %eq3A_27 : i1 to i32
    %cond3A_29 = arith.constant 0 : i32
    %cond3A_30 = arith.cmpi ne, %convert_element_type3A_28, %cond3A_29 : i32
    scf.if %cond3A_30 {
      "tpu.region"() ({
        %run_scoped3A = tpu.sem_alloc : memref<!tpu.dma_semaphore, #tpu.memory_space<semaphore_mem>>
        %dma_start3A = arith.constant 0 : i32
        %dma_start3A_31 = tpu.memref_slice %arg9[%dma_start3A] : memref<3136xf32, #tpu.memory_space<vmem>> -> memref<2784xf32, #tpu.memory_space<vmem>>
        %dma_start3A_32 = tpu.memref_slice %arg5[%mul3A_2] : memref<100000xf32, #tpu.memory_space<hbm>> -> memref<2784xf32, #tpu.memory_space<hbm>>
        %dma_start3A_33 = tpu.memref_slice %arg5[%mul3A_2] : memref<100000xf32, #tpu.memory_space<hbm>> -> memref<2784xf32, #tpu.memory_space<hbm>>
        %dma_start3A_34 = arith.constant 0 : i32
        %dma_start3A_35 = tpu.memref_slice %arg9[%dma_start3A_34] : memref<3136xf32, #tpu.memory_space<vmem>> -> memref<2784xf32, #tpu.memory_space<vmem>>
        tpu.enqueue_dma source(%dma_start3A_35 : memref<2784xf32, #tpu.memory_space<vmem>>) target(%dma_start3A_33 : memref<2784xf32, #tpu.memory_space<hbm>>) target_semaphore(%run_scoped3A : memref<!tpu.dma_semaphore, #tpu.memory_space<semaphore_mem>>)
        %dma_wait3A = arith.constant 0 : i32
        %dma_wait3A_36 = tpu.memref_slice %arg9[%dma_wait3A] : memref<3136xf32, #tpu.memory_space<vmem>> -> memref<2784xf32, #tpu.memory_space<vmem>>
        %dma_wait3A_37 = tpu.memref_slice %arg5[%mul3A_2] : memref<100000xf32, #tpu.memory_space<hbm>> -> memref<2784xf32, #tpu.memory_space<hbm>>
        %dma_wait3A_38 = tpu.memref_slice %arg5[%mul3A_2] : memref<100000xf32, #tpu.memory_space<hbm>> -> memref<2784xf32, #tpu.memory_space<hbm>>
        %dma_wait3A_39 = arith.constant 0 : i32
        %dma_wait3A_40 = tpu.memref_slice %arg9[%dma_wait3A_39] : memref<3136xf32, #tpu.memory_space<vmem>> -> memref<2784xf32, #tpu.memory_space<vmem>>
        tpu.wait_dma2 semaphore(%run_scoped3A : memref<!tpu.dma_semaphore, #tpu.memory_space<semaphore_mem>>) src(%dma_wait3A_40 : memref<2784xf32, #tpu.memory_space<vmem>>) dst(%dma_wait3A_38 : memref<2784xf32, #tpu.memory_space<hbm>>)
        tpu.yield
      }) : () -> ()
    } else {
    }
    return
  }
}

module attributes {stable_mosaic.version = 14 : i64} {
  func.func @_tc_body(%arg0: i32, %arg1: memref<10000x128xf32, #tpu.memory_space<vmem>>, %arg2: memref<1x1x10000xi32, #tpu.memory_space<vmem>>, %arg3: memref<256x128xf32, #tpu.memory_space<vmem>>, %arg4: memref<128x128xbf16, #tpu.memory_space<vmem>>, %arg5: memref<128x1xf32, #tpu.memory_space<vmem>>, %arg6: memref<128x1xbf16, #tpu.memory_space<vmem>>, %arg7: memref<1x128xbf16, #tpu.memory_space<vmem>>, %arg8: memref<1x1xf32, #tpu.memory_space<vmem>>, %arg9: memref<1x1x10000xf32, #tpu.memory_space<vmem>>, %arg10: memref<256x128xf32, #tpu.memory_space<vmem>>, %arg11: memref<256x1xf32, #tpu.memory_space<vmem>>, %arg12: memref<256x1xf32, #tpu.memory_space<vmem>>, %arg13: memref<256x1xf32, #tpu.memory_space<vmem>>) attributes {dimension_semantics = [#tpu.dimension_semantics<arbitrary>], iteration_bounds = array<i64: 10>, scalar_prefetch = 0 : i64, scratch_operands = 2 : i64, tpu.core_type = #tpu.core_type<tc>, window_params = [{transform_indices = @transform_0, window_bounds = array<i64: 10000, 128>}, {transform_indices = @transform_1, window_bounds = array<i64: 1, 1, 10000>}, {pipeline_mode = #tpu.pipeline_mode<synchronous>, transform_indices = @transform_2, window_bounds = array<i64: 256, 128>}, {pipeline_mode = #tpu.pipeline_mode<synchronous>, transform_indices = @transform_3, window_bounds = array<i64: 128, 128>}, {pipeline_mode = #tpu.pipeline_mode<synchronous>, transform_indices = @transform_4, window_bounds = array<i64: 128, 1>}, {pipeline_mode = #tpu.pipeline_mode<synchronous>, transform_indices = @transform_5, window_bounds = array<i64: 128, 1>}, {pipeline_mode = #tpu.pipeline_mode<synchronous>, transform_indices = @transform_6, window_bounds = array<i64: 1, 128>}, {pipeline_mode = #tpu.pipeline_mode<synchronous>, transform_indices = @transform_7, window_bounds = array<i64: 1, 1>}, {transform_indices = @transform_8, window_bounds = array<i64: 1, 1, 10000>}, {pipeline_mode = #tpu.pipeline_mode<synchronous>, transform_indices = @transform_9, window_bounds = array<i64: 256, 128>}, {pipeline_mode = #tpu.pipeline_mode<synchronous>, transform_indices = @transform_10, window_bounds = array<i64: 256, 1>}]} {
    %eq3A = arith.constant 0 : i32
    %eq3A_0 = arith.cmpi eq, %arg0, %eq3A : i32
    %convert_element_type3A = arith.extui %eq3A_0 : i1 to i32
    %cond3A = arith.constant 0 : i32
    %cond3A_1 = arith.cmpi ne, %convert_element_type3A, %cond3A : i32
    scf.if %cond3A_1 {
      %broadcast_in_dim3A_87 = arith.constant -3.38953139E+38 : f32
      %broadcast_in_dim3A_88 = vector.broadcast %broadcast_in_dim3A_87 : f32 to vector<256x1xf32>
      %swap3A_89 = arith.constant 0 : index
      %swap3A_90 = arith.constant 0 : index
      %swap3A_91 = vector.load %arg12[%swap3A_89, %swap3A_90] : memref<256x1xf32, #tpu.memory_space<vmem>>, vector<256x1xf32>
      tpu.vector_store %arg12[%swap3A_89, %swap3A_90], %broadcast_in_dim3A_88 {strides = array<i32>} : memref<256x1xf32, #tpu.memory_space<vmem>>, vector<256x1xf32>,
      %broadcast_in_dim3A_92 = arith.constant 0.000000e+00 : f32
      %broadcast_in_dim3A_93 = vector.broadcast %broadcast_in_dim3A_92 : f32 to vector<256x1xf32>
      %swap3A_94 = arith.constant 0 : index
      %swap3A_95 = arith.constant 0 : index
      %swap3A_96 = vector.load %arg13[%swap3A_94, %swap3A_95] : memref<256x1xf32, #tpu.memory_space<vmem>>, vector<256x1xf32>
      tpu.vector_store %arg13[%swap3A_94, %swap3A_95], %broadcast_in_dim3A_93 {strides = array<i32>} : memref<256x1xf32, #tpu.memory_space<vmem>>, vector<256x1xf32>,
      %broadcast_in_dim3A_97 = arith.constant 0.000000e+00 : f32
      %broadcast_in_dim3A_98 = vector.broadcast %broadcast_in_dim3A_97 : f32 to vector<256x128xf32>
      %swap3A_99 = arith.constant 0 : index
      %swap3A_100 = arith.constant 0 : index
      %swap3A_101 = vector.load %arg10[%swap3A_99, %swap3A_100] : memref<256x128xf32, #tpu.memory_space<vmem>>, vector<256x128xf32>
      tpu.vector_store %arg10[%swap3A_99, %swap3A_100], %broadcast_in_dim3A_98 {strides = array<i32>} : memref<256x128xf32, #tpu.memory_space<vmem>>, vector<256x128xf32>,
      %get3A_102 = arith.constant 0 : index
      %get3A_103 = arith.constant 0 : index
      %get3A_104 = vector.load %arg3[%get3A_102, %get3A_103] : memref<256x128xf32, #tpu.memory_space<vmem>>, vector<256x128xf32>
      %get3A_105 = arith.constant 0 : index
      %get3A_106 = arith.constant 0 : index
      %get3A_107 = vector.load %arg5[%get3A_105, %get3A_106] : memref<128x1xf32, #tpu.memory_space<vmem>>, vector<128x1xf32>
      %dot_general3A_108 = arith.constant dense<0.000000e+00> : vector<256x1xf32>
      %dot_general3A_109 = tpu.matmul %get3A_104, %get3A_107, %dot_general3A_108 {dimension_numbers = #tpu.dot_dimension_numbers<[1], [0], [0], [1], [0, 0, 1, 1], [], []>, precision = #tpu.contract_precision<fp32>, transpose_lhs_hint = false} : vector<256x128xf32>, vector<128x1xf32>, vector<256x1xf32> -> vector<256x1xf32>
      %get3A_110 = arith.constant 0 : index
      %get3A_111 = arith.constant 0 : index
      %get3A_112 = vector.load %arg8[%get3A_110, %get3A_111] : memref<1x1xf32, #tpu.memory_space<vmem>>, vector<1x1xf32>
      %get3A_113 = vector.extract %get3A_112[0, 0] : f32 from vector<1x1xf32>
      %add3A_114 = vector.broadcast %get3A_113 : f32 to vector<256x1xf32>
      %add3A_115 = arith.addf %dot_general3A_109, %add3A_114 : vector<256x1xf32>
      %swap3A_116 = arith.constant 0 : index
      %swap3A_117 = arith.constant 0 : index
      %swap3A_118 = vector.load %arg11[%swap3A_116, %swap3A_117] : memref<256x1xf32, #tpu.memory_space<vmem>>, vector<256x1xf32>
      tpu.vector_store %arg11[%swap3A_116, %swap3A_117], %add3A_115 {strides = array<i32>} : memref<256x1xf32, #tpu.memory_space<vmem>>, vector<256x1xf32>,
    } else {
    }
    %get3A = arith.constant 0 : index
    %get3A_2 = arith.constant 0 : index
    %get3A_3 = arith.constant 0 : index
    %get3A_4 = vector.load %arg2[%get3A, %get3A_2, %get3A_3] : memref<1x1x10000xi32, #tpu.memory_space<vmem>>, vector<1x1x10000xi32>
    %get3A_5 = vector.shape_cast %get3A_4 : vector<1x1x10000xi32> to vector<1x10000xi32>
    %get3A_6 = arith.constant 0 : index
    %get3A_7 = arith.constant 0 : index
    %get3A_8 = vector.load %arg1[%get3A_6, %get3A_7] : memref<10000x128xf32, #tpu.memory_space<vmem>>, vector<10000x128xf32>
    %convert_element_type3A_9 = arith.truncf %get3A_8 : vector<10000x128xf32> to vector<10000x128xbf16>
    %get3A_10 = arith.constant 0 : index
    %get3A_11 = arith.constant 0 : index
    %get3A_12 = vector.load %arg6[%get3A_10, %get3A_11] : memref<128x1xbf16, #tpu.memory_space<vmem>>, vector<128x1xbf16>
    %dot_general3A = arith.constant dense<0.000000e+00> : vector<1x10000xf32>
    %dot_general3A_13 = tpu.matmul %get3A_12, %convert_element_type3A_9, %dot_general3A {dimension_numbers = #tpu.dot_dimension_numbers<[0], [1], [1], [0], [0, 1, 1, 0], [], []>, transpose_lhs_hint = false} : vector<128x1xbf16>, vector<10000x128xbf16>, vector<1x10000xf32> -> vector<1x10000xf32>
    %swap3A = arith.constant 0 : index
    %swap3A_14 = arith.constant 0 : index
    %swap3A_15 = arith.constant 0 : index
    %swap3A_16 = vector.load %arg9[%swap3A, %swap3A_14, %swap3A_15] : memref<1x1x10000xf32, #tpu.memory_space<vmem>>, vector<1x1x10000xf32>
    %swap3A_17 = vector.shape_cast %swap3A_16 : vector<1x1x10000xf32> to vector<1x10000xf32>
    %swap3A_18 = vector.shape_cast %dot_general3A_13 : vector<1x10000xf32> to vector<1x1x10000xf32>
    tpu.vector_store %arg9[%swap3A, %swap3A_14, %swap3A_15], %swap3A_18 {strides = array<i32>} : memref<1x1x10000xf32, #tpu.memory_space<vmem>>, vector<1x1x10000xf32>,
    %convert_element_type3A_19 = arith.trunci %get3A_5 : vector<1x10000xi32> to vector<1x10000xi16>
    %broadcast_in_dim3A = vector.shape_cast %convert_element_type3A_19 : vector<1x10000xi16> to vector<1x10000xi16>
    %broadcast_in_dim3A_20 = vector.broadcast %broadcast_in_dim3A : vector<1x10000xi16> to vector<256x10000xi16>
    %iota3A = tpu.iota {dimensions = array<i32: 0>} : vector<256x10000xi16>
    %eq3A_21 = arith.cmpi eq, %broadcast_in_dim3A_20, %iota3A : vector<256x10000xi16>
    %reduce_max3A = arith.constant dense<0xFF800000> : vector<1xf32>
    %reduce_max3A_22 = vector.multi_reduction <maximumf>, %dot_general3A_13, %reduce_max3A [1] : vector<1x10000xf32> to vector<1xf32>
    %broadcast_in_dim3A_23 = vector.shape_cast %reduce_max3A_22 : vector<1xf32> to vector<1x1xf32>
    %get3A_24 = arith.constant 0 : index
    %get3A_25 = arith.constant 0 : index
    %get3A_26 = vector.load %arg12[%get3A_24, %get3A_25] : memref<256x1xf32, #tpu.memory_space<vmem>>, vector<256x1xf32>
    %max3A = vector.broadcast %broadcast_in_dim3A_23 : vector<1x1xf32> to vector<256x1xf32>
    %max3A_27 = arith.maximumf %get3A_26, %max3A : vector<256x1xf32>
    %sub3A = arith.subf %get3A_26, %max3A_27 : vector<256x1xf32>
    %exp3A = math.exp %sub3A : vector<256x1xf32>
    %sub3A_28 = vector.broadcast %broadcast_in_dim3A_23 : vector<1x1xf32> to vector<256x1xf32>
    %sub3A_29 = arith.subf %sub3A_28, %max3A_27 : vector<256x1xf32>
    %exp3A_30 = math.exp %sub3A_29 : vector<256x1xf32>
    %swap3A_31 = arith.constant 0 : index
    %swap3A_32 = arith.constant 0 : index
    %swap3A_33 = vector.load %arg12[%swap3A_31, %swap3A_32] : memref<256x1xf32, #tpu.memory_space<vmem>>, vector<256x1xf32>
    tpu.vector_store %arg12[%swap3A_31, %swap3A_32], %max3A_27 {strides = array<i32>} : memref<256x1xf32, #tpu.memory_space<vmem>>, vector<256x1xf32>,
    %sub3A_34 = vector.broadcast %broadcast_in_dim3A_23 : vector<1x1xf32> to vector<1x10000xf32>
    %sub3A_35 = arith.subf %dot_general3A_13, %sub3A_34 : vector<1x10000xf32>
    %exp3A_36 = math.exp %sub3A_35 : vector<1x10000xf32>
    %convert_element_type3A_37 = arith.truncf %exp3A_36 : vector<1x10000xf32> to vector<1x10000xbf16>
    %jit3A = arith.constant 0.000000e+00 : bf16
    %broadcast_in_dim3A_38 = vector.shape_cast %convert_element_type3A_37 : vector<1x10000xbf16> to vector<1x10000xbf16>
    %broadcast_in_dim3A_39 = vector.broadcast %broadcast_in_dim3A_38 : vector<1x10000xbf16> to vector<256x10000xbf16>
    %broadcast_in_dim3A_40 = vector.broadcast %jit3A : bf16 to vector<256x10000xbf16>
    %select_n3A = arith.select %eq3A_21, %broadcast_in_dim3A_39, %broadcast_in_dim3A_40 : vector<256x10000xi1>, vector<256x10000xbf16>
    %get3A_41 = arith.constant 0 : index
    %get3A_42 = arith.constant 0 : index
    %get3A_43 = vector.load %arg13[%get3A_41, %get3A_42] : memref<256x1xf32, #tpu.memory_space<vmem>>, vector<256x1xf32>
    %mul3A = arith.mulf %get3A_43, %exp3A : vector<256x1xf32>
    %broadcast_in_dim3A_44 = arith.constant 1.000000e+00 : bf16
    %broadcast_in_dim3A_45 = vector.broadcast %broadcast_in_dim3A_44 : bf16 to vector<10000x1xbf16>
    %dot_general3A_46 = arith.constant dense<0.000000e+00> : vector<256x1xf32>
    %dot_general3A_47 = tpu.matmul %select_n3A, %broadcast_in_dim3A_45, %dot_general3A_46 {dimension_numbers = #tpu.dot_dimension_numbers<[1], [0], [0], [1], [0, 0, 1, 1], [], []>, transpose_lhs_hint = false} : vector<256x10000xbf16>, vector<10000x1xbf16>, vector<256x1xf32> -> vector<256x1xf32>
    %mul3A_48 = arith.mulf %exp3A_30, %dot_general3A_47 : vector<256x1xf32>
    %add3A = arith.addf %mul3A, %mul3A_48 : vector<256x1xf32>
    %swap3A_49 = arith.constant 0 : index
    %swap3A_50 = arith.constant 0 : index
    %swap3A_51 = vector.load %arg13[%swap3A_49, %swap3A_50] : memref<256x1xf32, #tpu.memory_space<vmem>>, vector<256x1xf32>
    tpu.vector_store %arg13[%swap3A_49, %swap3A_50], %add3A {strides = array<i32>} : memref<256x1xf32, #tpu.memory_space<vmem>>, vector<256x1xf32>,
    %get3A_52 = arith.constant 0 : index
    %get3A_53 = arith.constant 0 : index
    %get3A_54 = vector.load %arg4[%get3A_52, %get3A_53] : memref<128x128xbf16, #tpu.memory_space<vmem>>, vector<128x128xbf16>
    %dot_general3A_55 = arith.constant dense<0.000000e+00> : vector<10000x128xf32>
    %dot_general3A_56 = tpu.matmul %convert_element_type3A_9, %get3A_54, %dot_general3A_55 {dimension_numbers = #tpu.dot_dimension_numbers<[1], [0], [0], [1], [0, 0, 1, 1], [], []>, transpose_lhs_hint = false} : vector<10000x128xbf16>, vector<128x128xbf16>, vector<10000x128xf32> -> vector<10000x128xf32>
    %convert_element_type3A_57 = arith.truncf %dot_general3A_56 : vector<10000x128xf32> to vector<10000x128xbf16>
    %get3A_58 = arith.constant 0 : index
    %get3A_59 = arith.constant 0 : index
    %get3A_60 = vector.load %arg7[%get3A_58, %get3A_59] : memref<1x128xbf16, #tpu.memory_space<vmem>>, vector<1x128xbf16>
    %add3A_61 = vector.broadcast %get3A_60 : vector<1x128xbf16> to vector<10000x128xbf16>
    %add3A_62 = arith.addf %convert_element_type3A_57, %add3A_61 : vector<10000x128xbf16>
    %gt3A = arith.constant 0.000000e+00 : bf16
    %gt3A_63 = vector.broadcast %gt3A : bf16 to vector<10000x128xbf16>
    %gt3A_64 = arith.cmpf ogt, %add3A_62, %gt3A_63 : vector<10000x128xbf16>
    %mul3A_65 = arith.constant 2.001950e-01 : bf16
    %mul3A_66 = vector.broadcast %mul3A_65 : bf16 to vector<10000x128xbf16>
    %mul3A_67 = arith.mulf %mul3A_66, %add3A_62 : vector<10000x128xbf16>
    %select_n3A_68 = arith.select %gt3A_64, %add3A_62, %mul3A_67 : vector<10000x128xi1>, vector<10000x128xbf16>
    %get3A_69 = arith.constant 0 : index
    %get3A_70 = arith.constant 0 : index
    %get3A_71 = vector.load %arg10[%get3A_69, %get3A_70] : memref<256x128xf32, #tpu.memory_space<vmem>>, vector<256x128xf32>
    %mul3A_72 = vector.broadcast %exp3A : vector<256x1xf32> to vector<256x128xf32>
    %mul3A_73 = arith.mulf %get3A_71, %mul3A_72 : vector<256x128xf32>
    %dot_general3A_74 = arith.constant dense<0.000000e+00> : vector<256x128xf32>
    %dot_general3A_75 = tpu.matmul %select_n3A, %select_n3A_68, %dot_general3A_74 {dimension_numbers = #tpu.dot_dimension_numbers<[1], [0], [0], [1], [0, 0, 1, 1], [], []>, transpose_lhs_hint = false} : vector<256x10000xbf16>, vector<10000x128xbf16>, vector<256x128xf32> -> vector<256x128xf32>
    %mul3A_76 = vector.broadcast %exp3A_30 : vector<256x1xf32> to vector<256x128xf32>
    %mul3A_77 = arith.mulf %mul3A_76, %dot_general3A_75 : vector<256x128xf32>
    %add3A_78 = arith.addf %mul3A_73, %mul3A_77 : vector<256x128xf32>
    %swap3A_79 = arith.constant 0 : index
    %swap3A_80 = arith.constant 0 : index
    %swap3A_81 = vector.load %arg10[%swap3A_79, %swap3A_80] : memref<256x128xf32, #tpu.memory_space<vmem>>, vector<256x128xf32>
    tpu.vector_store %arg10[%swap3A_79, %swap3A_80], %add3A_78 {strides = array<i32>} : memref<256x128xf32, #tpu.memory_space<vmem>>, vector<256x128xf32>,
    %eq3A_82 = arith.constant 9 : i32
    %eq3A_83 = arith.cmpi eq, %arg0, %eq3A_82 : i32
    %convert_element_type3A_84 = arith.extui %eq3A_83 : i1 to i32
    %cond3A_85 = arith.constant 0 : i32
    %cond3A_86 = arith.cmpi ne, %convert_element_type3A_84, %cond3A_85 : i32
    scf.if %cond3A_86 {
      %get3A_87 = arith.constant 0 : index
      %get3A_88 = arith.constant 0 : index
      %get3A_89 = vector.load %arg10[%get3A_87, %get3A_88] : memref<256x128xf32, #tpu.memory_space<vmem>>, vector<256x128xf32>
      %get3A_90 = arith.constant 0 : index
      %get3A_91 = arith.constant 0 : index
      %get3A_92 = vector.load %arg13[%get3A_90, %get3A_91] : memref<256x1xf32, #tpu.memory_space<vmem>>, vector<256x1xf32>
      %max3A_93 = arith.constant 9.99999996E-13 : f32
      %max3A_94 = vector.broadcast %max3A_93 : f32 to vector<256x1xf32>
      %max3A_95 = arith.maximumf %get3A_92, %max3A_94 : vector<256x1xf32>
      %div3A = vector.broadcast %max3A_95 : vector<256x1xf32> to vector<256x128xf32>
      %div3A_96 = arith.divf %get3A_89, %div3A : vector<256x128xf32>
      %gt3A_97 = arith.constant 0.000000e+00 : f32
      %gt3A_98 = vector.broadcast %gt3A_97 : f32 to vector<256x128xf32>
      %gt3A_99 = arith.cmpf ogt, %div3A_96, %gt3A_98 : vector<256x128xf32>
      %exp3A_100 = math.exp %div3A_96 : vector<256x128xf32>
      %sub3A_101 = arith.constant 1.000000e+00 : f32
      %sub3A_102 = vector.broadcast %sub3A_101 : f32 to vector<256x128xf32>
      %sub3A_103 = arith.subf %exp3A_100, %sub3A_102 : vector<256x128xf32>
      %select_n3A_104 = arith.select %gt3A_99, %div3A_96, %sub3A_103 : vector<256x128xi1>, vector<256x128xf32>
      %swap3A_105 = arith.constant 0 : index
      %swap3A_106 = arith.constant 0 : index
      %swap3A_107 = vector.load %arg10[%swap3A_105, %swap3A_106] : memref<256x128xf32, #tpu.memory_space<vmem>>, vector<256x128xf32>
      tpu.vector_store %arg10[%swap3A_105, %swap3A_106], %select_n3A_104 {strides = array<i32>} : memref<256x128xf32, #tpu.memory_space<vmem>>, vector<256x128xf32>,
    } else {
    }
    return
  }
  func.func @transform_0(%arg0: i32) -> (i32, i32) {
    %c0_i32 = arith.constant 0 : i32
    %c0_i32_0 = arith.constant 0 : i32
    return %arg0, %c0_i32 : i32, i32
  }
  func.func @transform_1(%arg0: i32) -> (i32, i32, i32) {
    %c0_i32 = arith.constant 0 : i32
    %c0_i32_0 = arith.constant 0 : i32
    %c0_i32_1 = arith.constant 0 : i32
    return %arg0, %c0_i32, %c0_i32_0 : i32, i32, i32
  }
  func.func @transform_2(%arg0: i32) -> (i32, i32) {
    %c0_i32 = arith.constant 0 : i32
    %c0_i32_0 = arith.constant 0 : i32
    %c0_i32_1 = arith.constant 0 : i32
    return %c0_i32, %c0_i32_0 : i32, i32
  }
  func.func @transform_3(%arg0: i32) -> (i32, i32) {
    %c0_i32 = arith.constant 0 : i32
    %c0_i32_0 = arith.constant 0 : i32
    %c0_i32_1 = arith.constant 0 : i32
    return %c0_i32, %c0_i32_0 : i32, i32
  }
  func.func @transform_4(%arg0: i32) -> (i32, i32) {
    %c0_i32 = arith.constant 0 : i32
    %c0_i32_0 = arith.constant 0 : i32
    %c0_i32_1 = arith.constant 0 : i32
    return %c0_i32, %c0_i32_0 : i32, i32
  }
  func.func @transform_5(%arg0: i32) -> (i32, i32) {
    %c0_i32 = arith.constant 0 : i32
    %c0_i32_0 = arith.constant 0 : i32
    %c0_i32_1 = arith.constant 0 : i32
    return %c0_i32, %c0_i32_0 : i32, i32
  }
  func.func @transform_6(%arg0: i32) -> (i32, i32) {
    %c0_i32 = arith.constant 0 : i32
    %c0_i32_0 = arith.constant 0 : i32
    %c0_i32_1 = arith.constant 0 : i32
    return %c0_i32, %c0_i32_0 : i32, i32
  }
  func.func @transform_7(%arg0: i32) -> (i32, i32) {
    %c0_i32 = arith.constant 0 : i32
    %c0_i32_0 = arith.constant 0 : i32
    %c0_i32_1 = arith.constant 0 : i32
    return %c0_i32, %c0_i32_0 : i32, i32
  }
  func.func @transform_8(%arg0: i32) -> (i32, i32, i32) {
    %c0_i32 = arith.constant 0 : i32
    %c0_i32_0 = arith.constant 0 : i32
    %c0_i32_1 = arith.constant 0 : i32
    return %arg0, %c0_i32, %c0_i32_0 : i32, i32, i32
  }
  func.func @transform_9(%arg0: i32) -> (i32, i32) {
    %c0_i32 = arith.constant 0 : i32
    %c0_i32_0 = arith.constant 0 : i32
    %c0_i32_1 = arith.constant 0 : i32
    return %c0_i32, %c0_i32_0 : i32, i32
  }
  func.func @transform_10(%arg0: i32) -> (i32, i32) {
    %c0_i32 = arith.constant 0 : i32
    %c0_i32_0 = arith.constant 0 : i32
    %c0_i32_1 = arith.constant 0 : i32
    return %c0_i32, %c0_i32_0 : i32, i32
  }
}

</mosaic_0001>

<sc_bundles>
// kernel: kernel.4.cloned.1.call-start
scs
__scs_entry_jumppad:
0x0: {  	(pc) =	sbr.rel $0x88, $3  }
0x1: {  	(tag) =	ssettag $0x0;
	lr =	simm.s32 $0x1  }
0x2: {  	[smem:$0x3F9A] =	sst lr;
	_ =	strace $0xD0000000  }
0x3: {  	_ = 	snop  }
0x4: {  	_ = 	snop  }
0x5: {  	_ = 	snop  }
0x6: {  	_ = 	snop  }
0x7: {  	_ = 	snop  }
__scs_overlays_trampoline_lowered:
0x8: {  	[smem:$0x3FA9] =	sst s0  }
0x9: {  	[smem:$0x3FAA] =	sst s1  }
0xa: {  	[smem:$0x3FAB] =	sst s2  }
0xb: {  	[smem:$0x3FAC] =	sst s3  }
0xc: {  	[smem:$0x3FAD] =	sst s4  }
0xd: {  	[smem:$0x3FAE] =	sst s5  }
0xe: {  	[smem:$0x3FAF] =	sst s6  }
0xf: {  	[smem:$0x3FB0] =	sst s7  }
0x10: {  	[smem:$0x3FB1] =	sst s8  }
0x11: {  	[smem:$0x3FB2] =	sst s9;
	s0 =	simm.s32 @!p0 $0x0  }
0x12: {  	s1 =	sld [smem:$0x3F98];
	s0 =	simm.s32 @p0 $0x1  }
0x13: {  	[smem:$0x3FB3] =	sst s0;
	s0 =	simm.s32 @!p1 $0x0  }
0x14: {  	s2 =	sld [smem:$0x3F97];
	s0 =	simm.s32 @p1 $0x1  }
0x15: {  	[smem:$0x3FB4] =	sst s0;
	s0 =	simm.s32 @!p2 $0x0  }
0x16: {  	s3 =	sld [smem:$0x3FDB];
	s0 =	simm.s32 @p2 $0x1  }
0x17: {  	s4 =	simm.s32 $0x1BF5;
	[smem:$0x3FB6] =	sst s0  }
0x18: {  	s0 =	sld [smem:$0x3F99];
	_ =	swait.ge [sflag:s4], $0x0  }
0x19: {  	s7 =	sld [smem:$0x3F9A]  }
0x1a: {  	s8 =	sadd.s32 $0xFFFFE003, lr  }
0x1b: {  	s9 =	sadd.s32 $0xFFFFFEF7, lr;
	s5 =	simm.s32 $0xFFFFFFFF;
	p2 =	slt.u32 s8, $0xFFFFF086  }
0x1c: {  	p1 =	slt.u32 s9, $0xF7A;
	s5 =	simm.s32 @!p2 $0x0  }
0x1d: {  	s5 =	simm.s32 @p1 $0x1;
	p0 =	seq.s32 s7, s2  }
0x1e: {  	s7 =	smul.u32 @!p0 $0xF7A, s2;
	p2 =	seq.s32 @!p0 s5, $0x0  }
0x1f: {  	s9 =	smul.u32 $0xF7A, s1;
	s8 =	simm.s32 @!p0 $0x1BF5;
	p2 =	por !p2, p0  }
0x20: {  	[sflag:s8] =	ssyncset.s32 @!p0 $0xFFFFF086;
	s6 =	sadd.s32 @!p0 s3, s7;
	s7 =	simm.s32 @!p0 $0x108  }
0x21: {  	s3 =	sadd.s32 s3, s9;
	s6 =	sadd.s32 @!p0 $0x88, s6;
	s7 =	simm.s32 @p2 $0x1082  }
0x22: {  	[simem:s7], [sflag:s8] =	dma.local @!p0 [hbm:s6], $0xF7A  }
0x23: {  	s9 =	sor.u32 $0xD0000000, s2;
	s6 =	simm.s32 $0x108;
	_ =	swait.ge @!p0 [sflag:s8], $0x0  }
0x24: {  	s3 =	sadd.s32 $0x88, s3;
	s6 =	simm.s32 @!p1 $0x1082;
	[sflag:s4] =	ssyncset.s32 $0xFFFFF086  }
0x25: {  	[simem:s6], [sflag:s4] =	dma.local [hbm:s3], $0xF7A  }
0x26: {  	[smem:$0x3F9A] =	sst s1;
	(tag) =	ssettag s2;
	_ =	strace s9  }
0x27: {  	s1 =	sld [smem:$0x3FAA]  }
0x28: {  	s2 =	sld [smem:$0x3FAB]  }
0x29: {  	s4 =	sld [smem:$0x3FAD]  }
0x2a: {  	p0 =	seq.s32 s5, $0x0;
	s5 =	sld [smem:$0x3FAE]  }
0x2b: {  	s6 =	sld [smem:$0x3FAF]  }
0x2c: {  	s7 =	sld [smem:$0x3FB0]  }
0x2d: {  	s3 =	simm.s32 $0x108;
	s8 =	sld [smem:$0x3FB1]  }
0x2e: {  	s3 =	simm.s32 @!p0 $0x1082;
	s9 =	sld [smem:$0x3FB2]  }
0x2f: {  	lr =	sadd.s32 s0, s3;
	s0 =	sld [smem:$0x3FA9]  }
0x30: {  	s3 =	sld [smem:$0x3FAC]  }
0x31: {  	[smem:$0x3FB5] =	sst s10  }
0x32: {  	s10 =	sld [smem:$0x3FB3];
	_ =	sdelay $0x3  }
0x33: {  	p0 =	seq.s32 s10, $0x1;
	s10 =	sld [smem:$0x3FB5];
	_ =	sdelay $0x3  }
0x34: {  	[smem:$0x3FB5] =	sst s10  }
0x35: {  	s10 =	sld [smem:$0x3FB4];
	_ =	sdelay $0x3  }
0x36: {  	p1 =	seq.s32 s10, $0x1;
	s10 =	sld [smem:$0x3FB5];
	_ =	sdelay $0x3  }
0x37: {  	[smem:$0x3FB5] =	sst s10  }
0x38: {  	s10 =	sld [smem:$0x3FB6]  }
0x39: {  	_ = 	snop;
	(pc) =	sbr.ind lr, $3  }
0x3a: {  	_ = 	snop  }
0x3b: {  	_ = 	snop  }
0x3c: {  	p2 =	seq.s32 s10, $0x1;
	s10 =	sld [smem:$0x3FB5]  }
0x3d: {  	_ =	shalt  }
0x3e: {  	_ =	shalt  }
0x3f: {  	_ =	shalt  }
0x40: {  	_ =	shalt  }
0x41: {  	_ =	shalt  }
0x42: {  	_ =	shalt  }
0x43: {  	_ =	shalt  }
0x44: {  	_ =	shalt  }
0x45: {  	_ =	shalt  }
0x46: {  	_ =	shalt  }
0x47: {  	_ =	shalt  }
0x48: {  	_ =	shalt  }
0x49: {  	_ =	shalt  }
0x4a: {  	_ =	shalt  }
0x4b: {  	_ =	shalt  }
0x4c: {  	_ =	shalt  }
0x4d: {  	_ =	shalt  }
0x4e: {  	_ =	shalt  }
0x4f: {  	_ =	shalt  }
0x50: {  	_ =	shalt  }
0x51: {  	_ =	shalt  }
0x52: {  	_ =	shalt  }
0x53: {  	_ =	shalt  }
0x54: {  	_ =	shalt  }
0x55: {  	_ =	shalt  }
0x56: {  	_ =	shalt  }
0x57: {  	_ =	shalt  }
0x58: {  	_ =	shalt  }
0x59: {  	_ =	shalt  }
0x5a: {  	_ =	shalt  }
0x5b: {  	_ =	shalt  }
0x5c: {  	_ =	shalt  }
0x5d: {  	_ =	shalt  }
0x5e: {  	_ =	shalt  }
0x5f: {  	_ =	shalt  }
0x60: {  	_ =	shalt  }
0x61: {  	_ =	shalt  }
0x62: {  	_ =	shalt  }
0x63: {  	_ =	shalt  }
0x64: {  	_ =	shalt  }
0x65: {  	_ =	shalt  }
0x66: {  	_ =	shalt  }
0x67: {  	_ =	shalt  }
0x68: {  	_ =	shalt  }
0x69: {  	_ =	shalt  }
0x6a: {  	_ =	shalt  }
0x6b: {  	_ =	shalt  }
0x6c: {  	_ =	shalt  }
0x6d: {  	_ =	shalt  }
0x6e: {  	_ =	shalt  }
0x6f: {  	_ =	shalt  }
0x70: {  	_ =	shalt  }
0x71: {  	_ =	shalt  }
0x72: {  	_ =	shalt  }
0x73: {  	_ =	shalt  }
0x74: {  	_ =	shalt  }
0x75: {  	_ =	shalt  }
0x76: {  	_ =	shalt  }
0x77: {  	_ =	shalt  }
0x78: {  	_ =	shalt  }
0x79: {  	_ =	shalt  }
0x7a: {  	_ =	shalt  }
0x7b: {  	_ =	shalt  }
0x7c: {  	_ =	shalt  }
0x7d: {  	_ =	shalt  }
0x7e: {  	_ =	shalt  }
0x7f: {  	_ =	shalt  }
0x80: {  	_ =	shalt  }
0x81: {  	_ =	shalt  }
0x82: {  	_ =	shalt  }
0x83: {  	_ =	shalt  }
0x84: {  	_ =	shalt  }
0x85: {  	_ =	shalt  }
0x86: {  	_ =	shalt  }
0x87: {  	_ =	shalt  }
.Lfunc_end0:
.L_simem_size_0:
called_computation_lowered:
.L_overlay_start_0:
0x88: {  	s2 =	sld [smem:$0x3FD9]  }
0x89: {  	s3 =	sld [smem:$0x3FFE];
	_ =	sdelay $0x1  }
0x8a: {  	s1 =	srdreg.scid  }
0x8b: {  	s0 =	sand.u32 $0x1, s1  }
0x8c: {  	s14 =	sshll.u32 s0, $0xA;
	s2 =	sadd.s32 s3, s2  }
0x8d: {  	s2 =	sadd.s32 s2, s14  }
0x8e: {  	[smem:$0x3FC1] =	sst s2  }
0x8f: {  	_ = 	snop  }
0x90: {  	s2 =	sld [smem:$0x3FD0];
	_ =	sdelay $0x2  }
0x91: {  	s4 =	simm.s32 $0xA;
	s5 =	simm.s32 $0x10;
	s15 =	sld [smem:$0x3FC7]  }
0x92: {  	[smem:s5], [sflag:s4] =	dma.local [hbm:s2], $0x1  }
0x93: {  	_ =	swait.eq [sflag:s4], $0x1  }
0x94: {  	[sflag:s4] =	ssyncset.done $0x0  }
0x95: {  	[sflag:s4] =	ssyncadd.s32 $0xFFFFFFFF  }
0x96: {  	s16 =	sld [smem:$0x11];
	(tm) =	ssettm $0x1  }
0x97: {  	s17 =	sld [smem:$0x3FFB];
	_ =	sdelay $0x3  }
0x98: {  	_ =	strace s17  }
0x99: {  	s4 =	sld [smem:$0x3FFC];
	_ =	sdelay $0x3  }
0x9a: {  	_ =	strace s4  }
0x9b: {  	s4 =	sld [smem:$0x3FFD];
	_ =	sdelay $0x3  }
0x9c: {  	_ =	strace s4  }
0x9d: {  	_ =	strace $0x8FFFFFFF  }
0x9e: {  	s18 =	sld [smem:$0x3FDB];
	_ =	sdelay $0x1  }
0x9f: {  	s19 =	simm.s32 $_scs_section_size  }
0xa0: {  	s6 =	simm.s32 $_size__tile_overlayer_lowered;
	s7 =	simm.s32 $_tile_overlayer_lowered  }
0xa1: {  	s22 =	simm.s32 $0x1BFF;
	s21 =	sshll.u32 s7, $0x1;
	s4 =	sadd.s32 s19, s18  }
0xa2: {  	s8 =	simm.s32 $0x0;
	s20 =	sshll.u32 s6, $0x1;
	s6 =	sadd.s32 s21, s4  }
0xa3: {  	[timem:s8], [sflag:s22] =	dma.local [hbm:s6], s20  }
0xa4: {  	_ =	swait.ge [sflag:s22], s20  }
0xa5: {  	s5 =	ssub.s32 $0x0, s20;
	[sflag:s22] =	ssyncset.done $0x0  }
0xa6: {  	[sflag:s22] =	ssyncadd.s32 s5;
	_ =	sdelay $0x1  }
0xa7: {  	s23 =	simm.s32 $0x1B8B  }
0xa8: {  	_ =	swait.ge [sflag:s23], $0x1  }
0xa9: {  	[sflag:s23] =	ssyncset.done $0x0  }
0xaa: {  	s25 =	simm.s32 $0x1B8E;
	s24 =	sld [smem:$0x3FFE];
	[sflag:s23] =	ssyncadd.s32 $0xFFFFFFFF  }
0xab: {  	s26 =	simm.s32 $execute0_lowered;
	[smem:$0x3FD2] =	sst s25  }
0xac: {  	s6 =	sshll.u32 s26, $0x1;
	_ =	strace $0x80000046;
	[dreg:$0x1] =	wrdreg $0xFFFFFFFF  }
0xad: {  	s28 =	simm.s32 $_size_execute0_lowered;
	s4 =	sadd.s32 s4, s6;
	[dreg:$0x0] =	wrdreg $0x0  }
0xae: {  	s6 =	sshll.u32 s28, $0x1;
	[dreg:$0x2] =	wrdreg s4  }
0xaf: {  	[dreg:$0x3] =	wrdreg s6  }
0xb0: {  	[dreg:$0x4] =	wrdreg $0xC0  }
0xb1: {  	_ =	task [dreg:s8], $0x5FFFF  }
0xb2: {  	[dreg:$0x1] =	wrdreg $0xFFFFFFFF  }
0xb3: {  	[dreg:$0x0] =	wrdreg $0x60  }
0xb4: {  	[dreg:$0x2] =	wrdreg s24  }
0xb5: {  	[dreg:$0x3] =	wrdreg s15  }
0xb6: {  	[dreg:$0x4] =	wrdreg s16  }
0xb7: {  	[dreg:$0x5] =	wrdreg $0x9  }
0xb8: {  	_ =	task.clear_ibuf [dreg:s8], $0x6FFFF;
	_ =	strace $0x90000046  }
0xb9: {  	s29 =	simm.s32 $0x9;
	_ =	strace $0x80000048  }
0xba: {  	_ =	swait.ge [sflag:s29], $0x1  }
0xbb: {  	[sflag:s29] =	ssyncadd.s32 $0xFFFFFFFF  }
0xbc: {  	_ =	strace $0x90000048  }
0xbd: {  	_ =	sfence  }
0xbe: {  	s30 =	sld [smem:$0x0];
	_ =	sdelay $0x2  }
0xbf: {  	s31 =	sshll.u32 s1, $0xD;
	s1 =	sshrl.u32 s1, $0x2  }
0xc0: {  	s3 =	sand.u32 $0x4000, s31;
	s1 =	sadd.s32 s1, s30  }
0xc1: {  	s0 =	sor.u32 s3, s0;
	s1 =	sshll.u32 s1, $0x11  }
0xc2: {  	s0 =	sor.u32 s1, s0  }
0xc3: {  	s0 =	sadd.s32 $0x8F2B, s0  }
0xc4: {  	[sflag:s0] =	ssyncadd.remote.s32 $0x1  }
0xc5: {  	_ =	sfence.sel $0xFFFF  }
0xc6: {  	[dreg:$0x0] =	wrdreg $0xFFFFFFFF;
	(pc) =	sbr.abs _section_cstart, $3  }
0xc7: {  	[dreg:$0x1] =	wrdreg $0xFFFFFFFF  }
0xc8: {  	_ =	task.clear_ibuf [dreg:s8], $0x2FFFF;
	_ =	strace $0x9FFFFFFF  }
0xc9: {  	(tm) =	ssettm $0x7FFFFFFF  }
tec
execute0_lowered:
.L_overlay_start_1:
0x0: {  	(tag) =	ssettag $0x1  }
0x1: {  	s9 =	rddreg [dreg:$0x0]  }
0x2: {  	s7 =	rddreg [dreg:$0x1];
	s1 =	srdreg.scid  }
0x3: {  	s0 =	stileid.u32;
	s2 =	rddreg [dreg:$0x2];
	s3 =	simm.s32 $0x0  }
0x4: {  	s12 =	simm.s32 $0x1;
	s4 =	sand.u32 $0x1, s1;
	s1 =	rddreg [dreg:$0x3]  }
0x5: {  	s13 =	simm.s32 $0x0;
	s5 =	sshll.u32 s0, $0x1;
	[smem:$0x7FF] =	sst s3  }
0x6: {  	s11 =	sor.u32 s4, s5;
	s4 =	ssub.s32 $0x2, s4;
	_ =	strace $0x80000047  }
0x7: {  	s5 =	smul.u32 $0x188, s11;
	s6 =	sshrl.u32 s4, $0x1;
	p0 =	seq.s32 s11, $0x1F  }
0x8: {  	s11 =	simm.s32 $0x1900;
	s10 =	ssub.s32 s4, s6;
	s6 =	sadd.s32 $0x2F78, s9  }
0x9: {  	s4 =	sadd.s32 s9, s5;
	s5 =	sadd.s32 s7, s5;
	s7 =	sadd.s32 $0x2F78, s7  }
0xa: {  	s9 =	sadd.s32 $0x6178, s9;
	s10 =	smax.u32 s10, $0x1;
	s8 =	sadd.s32 $0x3200, s4  }
.LBB2_1:
0xb: {  	[tilespmem:s11], [sflag:$0x1] =	stream.linear.gather [hbm4b:s2+s3], $0x100, $0x38;
	[tilespmem:$0x2680] =	vst v63  }
0xc: {  	_ =	swait.ge [sflag:s12], $0x100  }
0xd: {  	[sflag:s12] =	ssyncset.done $0x0  }
0xe: {  	s15 =	simm.s32 @p0 $0x0;
	s14 =	simm.s32 @p0 $0x1;
	[sflag:s12] =	ssyncadd.s32 $0xFFFFFF00  }
0xf: {  	[tilespmem:s15], [sflag:$0x1] =	stream.linear.gather @p0 [hbm4b:s6+s15], $0xAE0, $0x38;
	[tilespmem:$0x2680] =	vst v63  }
0x10: {  	_ =	swait.ge @p0 [sflag:s14], $0xAE0  }
0x11: {  	[sflag:s14] =	ssyncset.done @p0 $0x0  }
0x12: {  	s16 =	simm.s32 @p0 $0xC80;
	[sflag:s14] =	ssyncadd.s32 @p0 $0xFFFFF520  }
0x13: {  	[tilespmem:s16], [sflag:$0x1] =	stream.linear.gather @p0 [hbm4b:s7+s15], $0xAE0, $0x38;
	[tilespmem:$0x2680] =	vst v63  }
0x14: {  	_ =	swait.ge @p0 [sflag:s14], $0xAE0  }
0x15: {  	[sflag:s14] =	ssyncset.done @p0 $0x0  }
0x16: {  	s17 =	simm.s32 @!p0 $0x0;
	s16 =	simm.s32 @!p0 $0x1;
	[sflag:s14] =	ssyncadd.s32 @p0 $0xFFFFF520  }
0x17: {  	[tilespmem:s17], [sflag:$0x1] =	stream.linear.gather @!p0 [hbm4b:s4+s17], $0xC40, $0x38;
	[tilespmem:$0x2680] =	vst v63  }
0x18: {  	s19 =	simm.s32 @!p0 $0xC4;
	_ =	swait.ge @!p0 [sflag:s16], $0xC40  }
0x19: {  	s19 =	simm.s32 @p0 $0xAE;
	[sflag:s16] =	ssyncset.done @!p0 $0x0  }
0x1a: {  	s18 =	simm.s32 @!p0 $0xC80;
	p2 =	sne.s32 s19, $0x1;
	[sflag:s16] =	ssyncadd.s32 @!p0 $0xFFFFF3C0  }
0x1b: {  	[tilespmem:s18], [sflag:$0x1] =	stream.linear.gather @!p0 [hbm4b:s5+s17], $0xC40, $0x38;
	[tilespmem:$0x2680] =	vst v63  }
.Ltmp0:
0x1c: {  	_ = 	snop;
	(pc) =	sbr.rel @!p2 .LBB2_2-.Ltmp0, $4  }
0x1d: {  	_ =	swait.ge @!p0 [sflag:s16], $0xC40  }
0x1e: {  	[sflag:s16] =	ssyncset.done @!p0 $0x0  }
0x1f: {  	s20 =	simm.s32 $0xC80;
	[sflag:s16] =	ssyncadd.s32 @!p0 $0xFFFFF3C0  }
0x20: {  	p1 =	por $0x0, $0x0;
	s19 =	sadd.s32 $0xFFFFFFFF, s19;
	s18 =	simm.s32 $0x1A00;
	v0 =	vld [tilespmem:s20+$0x0]  }
0x21: {  	_ =	sdelay $0x6  }
0x22: {  	v1 =	vld [tilespmem:s3+$0x0]  }
0x23: {  	v0 =	vld.idx.msk [tilespmem:v0+s11+$0x0], $0xffff;
	_ =	sdelay $0x2  }
0x24: {  	p2 =	sne.s32 s19, $0x1  }
.Ltmp1:
0x25: {  	_ = 	snop;
	(pc) =	sbr.rel @!p2 .LBB2_4-.Ltmp1, $3  }
0x26: {  	v0 =	vadd.f32 v1, v0;
	_ =	sdelay $0x1  }
0x27: {  	s21 =	simm.s32 $0xC90;
	s22 =	sadd.s32 $0xFFFFFFFF, s19;
	[tilespmem:s18+$0x0] =	vst v0  }
0x28: {  	p1 =	por $0x1, $0x1;
	s20 =	simm.s32 $0x0;
	s19 =	simm.s32 $0x1A00;
	v0 =	vld [tilespmem:s21+$0x0]  }
.LBB2_5:
0x29: {  	p2 =	sne.s32 s22, $0x1;
	_ =	sdelay $0x6  }
0x2a: {  	s20 =	sadd.s32 $0x10, s20;
	v0 =	vld.idx.msk [tilespmem:v0+s11+$0x0], $0xffff  }
0x2b: {  	v1 =	vld [tilespmem:s20+$0x0];
	_ =	sdelay $0x3  }
.Ltmp2:
0x2c: {  	(pc) =	sbr.rel @p2 .LBB2_5-.Ltmp2, $4  }
0x2d: {  	v0 =	vadd.f32 v1, v0  }
0x2e: {  	s19 =	sadd.s32 $0x10, s19  }
0x2f: {  	s21 =	sadd.s32 $0x10, s21;
	[tilespmem:s19+$0x0] =	vst v0  }
0x30: {  	s22 =	sadd.s32 $0xFFFFFFFF, s22;
	v0 =	vld [tilespmem:s21+$0x0]  }
.LBB2_6:
0x31: {  	_ =	sdelay $0x4  }
0x32: {  	s20 =	sadd.s32 @p1 $0x10, s20;
	s21 =	simm.s32 $0x0  }
0x33: {  	s21 =	smov.u32 @p1 s20  }
0x34: {  	v1 =	vld [tilespmem:s21+$0x0]  }
0x35: {  	v0 =	vld.idx.msk [tilespmem:v0+s11+$0x0], $0xffff;
	_ =	sdelay $0x4  }
0x36: {  	s19 =	sadd.s32 @p1 $0x10, s19;
	v0 =	vadd.f32 v1, v0  }
0x37: {  	s18 =	smov.u32 @p1 s19  }
0x38: {  	[tilespmem:s18+$0x0] =	vst v0;
	s18 =	simm.s32 @p0 $0x1A00  }
0x39: {  	[hbm4b:s9+s15] =	stream.linear.scatter @p0 [tilespmem:s18], [sflag:$0x1], $0xAE0, $0x38;
	[tilespmem:$0x2680] =	vst v63  }
0x3a: {  	_ =	swait.ge @p0 [sflag:s14], $0xAE0  }
0x3b: {  	s13 =	sadd.s32 $0x1, s13;
	[sflag:s14] =	ssyncset.done @p0 $0x0  }
0x3c: {  	p1 =	sne.s32 s13, s10;
	[sflag:s14] =	ssyncadd.s32 @p0 $0xFFFFF520;
	s14 =	simm.s32 @!p0 $0x1A00  }
0x3d: {  	[hbm4b:s8+s17] =	stream.linear.scatter @!p0 [tilespmem:s14], [sflag:$0x1], $0xC40, $0x38;
	[tilespmem:$0x2680] =	vst v63  }
.Ltmp3:
0x3e: {  	_ = 	snop;
	(pc) =	sbr.rel @p1 .LBB2_1-.Ltmp3, $4  }
.Ltmp4:
0x3f: {  	_ = 	snop;
	(pc) =	sbr.rel @!p1 .LBB2_7-.Ltmp4, $4  }
0x40: {  	_ =	swait.ge @!p0 [sflag:s16], $0xC40  }
0x41: {  	[sflag:s16] =	ssyncset.done @!p0 $0x0  }
0x42: {  	[sflag:s16] =	ssyncadd.s32 @!p0 $0xFFFFF3C0  }
0x43: {  	_ = 	snop  }
.LBB2_2:
.Ltmp5:
0x44: {  	(pc) =	sbr.rel .LBB2_6-.Ltmp5, $2  }
0x45: {  	_ =	sdelay $0x2  }
0x46: {  	s20 =	simm.s32 $0x0;
	s19 =	simm.s32 $0x1A00  }
.LBB2_4:
.Ltmp6:
0x47: {  	(pc) =	sbr.rel .LBB2_6-.Ltmp6, $2  }
0x48: {  	_ =	sdelay $0x2  }
0x49: {  	s20 =	simm.s32 $0x0;
	s19 =	simm.s32 $0x1A00  }
.LBB2_7:
0x4a: {  	_ =	sfence.sel $0x180000  }
0x4b: {  	[bflag:$0x0] =	sbarrier.arrive $0xFFFF  }
0x4c: {  	p0 =	sne.s32 s0, $0x0;
	_ =	strace $0x90000047  }
0x4d: {  	s0 =	sadd.s32 @!p0 $0x100000, s1;
	[bflag:$0x2] =	sbarrier.arrive $0xFFFF  }
0x4e: {  	[sflag:s0] =	ssyncadd.tile.s32 @!p0 $0x1;
	_ =	shalt  }
.Lfunc_end2:
_tile_overlayer_lowered:
.L_overlay_start_2:
0x4f: {  	(tag) =	ssettag $0x2  }
0x50: {  	s0 =	rddreg [dreg:$0x0];
	s2 =	stileid.u32  }
0x51: {  	s1 =	rddreg [dreg:$0x1];
	p0 =	sne.s32 s2, $0x0  }
0x52: {  	s3 =	rddreg [dreg:$0x2];
	[bflag:$0x3] =	sbarrier.arrive $0xFFFF;
	s2 =	simm.s32 @!p0 $0x1C01  }
0x53: {  	[timem:s3], [sflag:s2] =	dma.local @!p0 [hbm:s0], s1  }
0x54: {  	s0 =	simm.s32 @!p0 $0x1  }
0x55: {  	_ =	swait.ge @!p0 [sflag:s0], s1  }
0x56: {  	s1 =	ssub.s32 @!p0 $0x0, s1;
	[sflag:s0] =	ssyncset.done @!p0 $0x0  }
0x57: {  	[sflag:s0] =	ssyncadd.s32 @!p0 s1  }
0x58: {  	[bflag:$0x3] =	sbarrier.arrive $0xFFFF  }
0x59: {  	_ =	shalt  }

</sc_bundles>
